<compile_context>
chip_gen: v7x
topology: tpu7x:2x2x1
jax: 0.10.2.dev20260603
libtpu: 0.0.44.dev20260713+nightly
codegen_flags: <defaults>
</compile_context>

<pallas_src>
import functools

import jax
import jax.numpy as jnp
from jax import lax
from jax.experimental import pallas as pl
from jax.experimental.pallas import tpu as pltpu
from jax.experimental.pallas import tpu_sc as plsc

_N = 1_000_000
_DIM = 64
_NC = 2
_NS = 16
_NW = _NC * _NS
_CHUNK = 128
_MAIN_ITERS = 244
_MAIN_PER_W = _MAIN_ITERS * _CHUNK
_MAIN = _NW * _MAIN_PER_W
_TAIL_CHUNK = 64
_TAIL_WORKERS = (_N - _MAIN) // _TAIL_CHUNK


@jax.jit
def _sc_gather(species, table):
    mesh = plsc.VectorSubcoreMesh(core_axis_name="c", subcore_axis_name="s")

    @functools.partial(
        pl.kernel,
        out_type=jax.ShapeDtypeStruct((_N, _DIM), jnp.float32),
        mesh=mesh,
        scratch_types=[
            pltpu.VMEM_SHARED((119, _DIM), jnp.float32),
            pltpu.VMEM((_CHUNK,), jnp.int32),
            pltpu.VMEM((_CHUNK, _DIM), jnp.float32),
            pltpu.VMEM((_TAIL_CHUNK,), jnp.int32),
            pltpu.VMEM((_TAIL_CHUNK, _DIM), jnp.float32),
            pltpu.SemaphoreType.DMA,
        ],
        compiler_params=pltpu.CompilerParams(use_tc_tiling_on_sc=False),
    )
    def k(species_hbm, table_hbm, out_hbm, table_sp, idx_v, rows_v, idx_t,
          rows_t, sem):
        wid = lax.axis_index("s") * _NC + lax.axis_index("c")
        base_w = wid * _MAIN_PER_W

        @pl.when(lax.axis_index("s") == 0)
        def _fill():
            pltpu.sync_copy(table_hbm, table_sp)

        plsc.subcore_barrier()

        def body(i, carry):
            base = base_w + i * _CHUNK
            pltpu.sync_copy(species_hbm.at[pl.ds(base, _CHUNK)], idx_v)
            pltpu.async_copy(table_sp.at[idx_v], rows_v, sem).wait()
            pltpu.sync_copy(rows_v, out_hbm.at[pl.ds(base, _CHUNK)])
            return carry

        lax.fori_loop(0, _MAIN_ITERS, body, 0)

        @pl.when(wid < _TAIL_WORKERS)
        def _tail():
            tb = _MAIN + wid * _TAIL_CHUNK
            pltpu.sync_copy(species_hbm.at[pl.ds(tb, _TAIL_CHUNK)], idx_t)
            pltpu.async_copy(table_sp.at[idx_t], rows_t, sem).wait()
            pltpu.sync_copy(rows_t, out_hbm.at[pl.ds(tb, _TAIL_CHUNK)])

    return k(species, table)


def kernel(species, conv_tensor):
    return _sc_gather(species, conv_tensor.astype(jnp.float32))

# --- scband reference (transcript-rebuilt; emitter-appended) ---
"""Pipeline reference for scband-species-encoding-6390911336581 (READ-ONLY COPY).

The authoritative reference and input builder live on the scoring server;
editing this copy changes nothing except your own understanding.
"""

import jax, jax.numpy as jnp
import numpy as np

ZMAX = 119
DIM = 64
N_ATOMS = 1000000

def setup_inputs(seed: int = 0) -> dict:
    key = jax.random.key(seed)
    k_sp, k_w = jax.random.split(key)
    species = jax.random.randint(k_sp, (N_ATOMS,), 0, ZMAX, dtype=jnp.int64 if jax.config.jax_enable_x64 else jnp.int32)
    species = species.astype(jnp.int32)
    # param init: standardized random normal, matching the flax init lambda
    conv_tensor = jax.nn.standardize(jax.random.normal(k_w, (ZMAX, DIM)))
    return {"species": species, "conv_tensor": conv_tensor}

def reference(species, conv_tensor):
    # Faithful translation of SpeciesEncoding.__call__ for array input:
    # out = conv_tensor[species]
    out = jnp.take(conv_tensor, species, axis=0)
    return out

if __name__ == "__main__":
    import jax
    _d = setup_inputs()
    print(jax.jit(kernel)(*tuple(_d.values())))

</pallas_src>

<mosaic_0001>
#map = affine_map<(d0, d1) -> (0)>
#map1 = affine_map<(d0, d1) -> (0, 0)>
module attributes {stable_mosaic.version = 14 : i64} {
  func.func @k(%arg0: i32, %arg1: i32, %arg2: memref<1000000xi32, #tpu.memory_space<hbm>>, %arg3: memref<119x64xf32, #tpu.memory_space<hbm>>, %arg4: memref<1000000x64xf32, #tpu.memory_space<hbm>>, %arg5: memref<119x64xf32, #tpu.memory_space<vmem_shared>>, %arg6: memref<128xi32, #tpu.memory_space<vmem>>, %arg7: memref<128x64xf32, #tpu.memory_space<vmem>>, %arg8: memref<64xi32, #tpu.memory_space<vmem>>, %arg9: memref<64x64xf32, #tpu.memory_space<vmem>>, %arg10: memref<!tpu.dma_semaphore, #tpu.memory_space<semaphore_mem>>) attributes {dimension_semantics = [#tpu.dimension_semantics<core_parallel>, #tpu.dimension_semantics<subcore_parallel>], iteration_bounds = array<i64: 2, 16>, scalar_prefetch = 0 : i64, scratch_operands = 6 : i64, tpu.core_type = #tpu.core_type<sc_vector_subcore>, window_params = [{transform_indices = #map}, {transform_indices = #map1}, {transform_indices = #map1}]} {
    %mul3A = arith.constant 2 : i32
    %mul3A_0 = arith.muli %arg1, %mul3A : i32
    %add3A = arith.addi %mul3A_0, %arg0 : i32
    %mul3A_1 = arith.constant 31232 : i32
    %mul3A_2 = arith.muli %add3A, %mul3A_1 : i32
    %eq3A = arith.constant 0 : i32
    %eq3A_3 = arith.cmpi eq, %arg1, %eq3A : i32
    %convert_element_type3A = arith.extui %eq3A_3 : i1 to i32
    %cond3A = arith.constant 0 : i32
    %cond3A_4 = arith.cmpi ne, %convert_element_type3A, %cond3A : i32
    scf.if %cond3A_4 {
      "tpu.region"() ({
        %run_scoped3A = tpu.sem_alloc : memref<!tpu.dma_semaphore, #tpu.memory_space<semaphore_mem>>
        tpu.enqueue_dma source(%arg3 : memref<119x64xf32, #tpu.memory_space<hbm>>) target(%arg5 : memref<119x64xf32, #tpu.memory_space<vmem_shared>>) target_semaphore(%run_scoped3A : memref<!tpu.dma_semaphore, #tpu.memory_space<semaphore_mem>>)
        tpu.wait_dma2 semaphore(%run_scoped3A : memref<!tpu.dma_semaphore, #tpu.memory_space<semaphore_mem>>) src(%arg3 : memref<119x64xf32, #tpu.memory_space<hbm>>) dst(%arg5 : memref<119x64xf32, #tpu.memory_space<vmem_shared>>)
        tpu.yield
      }) : () -> ()
    } else {
    }
    %barrier3A = arith.constant 0 : index
    tpu.barrier barrier_id(%barrier3A)
    %scan3A = arith.constant 0 : i32
    %scan3A_5 = arith.constant 0 : i32
    %scan3A_6 = arith.constant 244 : i32
    %scan3A_7 = arith.addi %scan3A_5, %scan3A_6 : i32
    %scan3A_8 = arith.constant 1 : i32
    scf.for %scan3A_14 = %scan3A_5 to %scan3A_7 step %scan3A_8  : i32 {
      %mul3A_15 = arith.constant 128 : i32
      %mul3A_16 = arith.muli %scan3A_14, %mul3A_15 : i32
      %add3A_17 = arith.addi %mul3A_2, %mul3A_16 : i32
      "tpu.region"() ({
        %run_scoped3A = tpu.sem_alloc : memref<!tpu.dma_semaphore, #tpu.memory_space<semaphore_mem>>
        %dma_start3A_22 = tpu.memref_slice %arg2[%add3A_17] : memref<1000000xi32, #tpu.memory_space<hbm>> -> memref<128xi32, #tpu.memory_space<hbm>>
        %dma_start3A_23 = tpu.memref_slice %arg2[%add3A_17] : memref<1000000xi32, #tpu.memory_space<hbm>> -> memref<128xi32, #tpu.memory_space<hbm>>
        tpu.enqueue_dma source(%dma_start3A_23 : memref<128xi32, #tpu.memory_space<hbm>>) target(%arg6 : memref<128xi32, #tpu.memory_space<vmem>>) target_semaphore(%run_scoped3A : memref<!tpu.dma_semaphore, #tpu.memory_space<semaphore_mem>>)
        %dma_wait3A_24 = tpu.memref_slice %arg2[%add3A_17] : memref<1000000xi32, #tpu.memory_space<hbm>> -> memref<128xi32, #tpu.memory_space<hbm>>
        %dma_wait3A_25 = tpu.memref_slice %arg2[%add3A_17] : memref<1000000xi32, #tpu.memory_space<hbm>> -> memref<128xi32, #tpu.memory_space<hbm>>
        tpu.wait_dma2 semaphore(%run_scoped3A : memref<!tpu.dma_semaphore, #tpu.memory_space<semaphore_mem>>) src(%dma_wait3A_25 : memref<128xi32, #tpu.memory_space<hbm>>) dst(%arg6 : memref<128xi32, #tpu.memory_space<vmem>>)
        tpu.yield
      }) : () -> ()
      %dma_start3A = arith.constant 0 : i32
      %dma_start3A_18 = arith.constant 0 : i32
      %dma_start3A_19 = tpu.memref_slice %arg5[%dma_start3A, %dma_start3A_18] : memref<119x64xf32, #tpu.memory_space<vmem_shared>> -> memref<119x64xf32, #tpu.memory_space<vmem_shared>>
      tpu.enqueue_indirect_dma source(%dma_start3A_19 : memref<119x64xf32, #tpu.memory_space<vmem_shared>>) target(%arg7 : memref<128x64xf32, #tpu.memory_space<vmem>>) offsets(%arg6 : memref<128xi32, #tpu.memory_space<vmem>>) semaphore(%arg10 : memref<!tpu.dma_semaphore, #tpu.memory_space<semaphore_mem>>)
      %dma_wait3A = arith.constant 0 : i32
      %dma_wait3A_20 = arith.constant 0 : i32
      %dma_wait3A_21 = tpu.memref_slice %arg5[%dma_wait3A, %dma_wait3A_20] : memref<119x64xf32, #tpu.memory_space<vmem_shared>> -> memref<119x64xf32, #tpu.memory_space<vmem_shared>>
      tpu.wait_indirect_dma semaphore(%arg10 : memref<!tpu.dma_semaphore, #tpu.memory_space<semaphore_mem>>) src(%dma_wait3A_21 : memref<119x64xf32, #tpu.memory_space<vmem_shared>>) dst(%arg7 : memref<128x64xf32, #tpu.memory_space<vmem>>)
      "tpu.region"() ({
        %run_scoped3A = tpu.sem_alloc : memref<!tpu.dma_semaphore, #tpu.memory_space<semaphore_mem>>
        %dma_start3A_22 = arith.constant 0 : i32
        %dma_start3A_23 = tpu.memref_slice %arg4[%add3A_17, %dma_start3A_22] : memref<1000000x64xf32, #tpu.memory_space<hbm>> -> memref<128x64xf32, #tpu.memory_space<hbm>>
        %dma_start3A_24 = arith.constant 0 : i32
        %dma_start3A_25 = tpu.memref_slice %arg4[%add3A_17, %dma_start3A_24] : memref<1000000x64xf32, #tpu.memory_space<hbm>> -> memref<128x64xf32, #tpu.memory_space<hbm>>
        tpu.enqueue_dma source(%arg7 : memref<128x64xf32, #tpu.memory_space<vmem>>) target(%dma_start3A_25 : memref<128x64xf32, #tpu.memory_space<hbm>>) target_semaphore(%run_scoped3A : memref<!tpu.dma_semaphore, #tpu.memory_space<semaphore_mem>>)
        %dma_wait3A_26 = arith.constant 0 : i32
        %dma_wait3A_27 = tpu.memref_slice %arg4[%add3A_17, %dma_wait3A_26] : memref<1000000x64xf32, #tpu.memory_space<hbm>> -> memref<128x64xf32, #tpu.memory_space<hbm>>
        %dma_wait3A_28 = arith.constant 0 : i32
        %dma_wait3A_29 = tpu.memref_slice %arg4[%add3A_17, %dma_wait3A_28] : memref<1000000x64xf32, #tpu.memory_space<hbm>> -> memref<128x64xf32, #tpu.memory_space<hbm>>
        tpu.wait_dma2 semaphore(%run_scoped3A : memref<!tpu.dma_semaphore, #tpu.memory_space<semaphore_mem>>) src(%arg7 : memref<128x64xf32, #tpu.memory_space<vmem>>) dst(%dma_wait3A_29 : memref<128x64xf32, #tpu.memory_space<hbm>>)
        tpu.yield
      }) : () -> ()
    }
    %scan3A_9 = arith.constant 244 : i32
    %lt3A = arith.constant 9 : i32
    %lt3A_10 = arith.cmpi slt, %add3A, %lt3A : i32
    %convert_element_type3A_11 = arith.extui %lt3A_10 : i1 to i32
    %cond3A_12 = arith.constant 0 : i32
    %cond3A_13 = arith.cmpi ne, %convert_element_type3A_11, %cond3A_12 : i32
    scf.if %cond3A_13 {
      %mul3A_14 = arith.constant 64 : i32
      %mul3A_15 = arith.muli %add3A, %mul3A_14 : i32
      %add3A_16 = arith.constant 999424 : i32
      %add3A_17 = arith.addi %add3A_16, %mul3A_15 : i32
      "tpu.region"() ({
        %run_scoped3A = tpu.sem_alloc : memref<!tpu.dma_semaphore, #tpu.memory_space<semaphore_mem>>
        %dma_start3A_22 = tpu.memref_slice %arg2[%add3A_17] : memref<1000000xi32, #tpu.memory_space<hbm>> -> memref<64xi32, #tpu.memory_space<hbm>>
        %dma_start3A_23 = tpu.memref_slice %arg2[%add3A_17] : memref<1000000xi32, #tpu.memory_space<hbm>> -> memref<64xi32, #tpu.memory_space<hbm>>
        tpu.enqueue_dma source(%dma_start3A_23 : memref<64xi32, #tpu.memory_space<hbm>>) target(%arg8 : memref<64xi32, #tpu.memory_space<vmem>>) target_semaphore(%run_scoped3A : memref<!tpu.dma_semaphore, #tpu.memory_space<semaphore_mem>>)
        %dma_wait3A_24 = tpu.memref_slice %arg2[%add3A_17] : memref<1000000xi32, #tpu.memory_space<hbm>> -> memref<64xi32, #tpu.memory_space<hbm>>
        %dma_wait3A_25 = tpu.memref_slice %arg2[%add3A_17] : memref<1000000xi32, #tpu.memory_space<hbm>> -> memref<64xi32, #tpu.memory_space<hbm>>
        tpu.wait_dma2 semaphore(%run_scoped3A : memref<!tpu.dma_semaphore, #tpu.memory_space<semaphore_mem>>) src(%dma_wait3A_25 : memref<64xi32, #tpu.memory_space<hbm>>) dst(%arg8 : memref<64xi32, #tpu.memory_space<vmem>>)
        tpu.yield
      }) : () -> ()
      %dma_start3A = arith.constant 0 : i32
      %dma_start3A_18 = arith.constant 0 : i32
      %dma_start3A_19 = tpu.memref_slice %arg5[%dma_start3A, %dma_start3A_18] : memref<119x64xf32, #tpu.memory_space<vmem_shared>> -> memref<119x64xf32, #tpu.memory_space<vmem_shared>>
      tpu.enqueue_indirect_dma source(%dma_start3A_19 : memref<119x64xf32, #tpu.memory_space<vmem_shared>>) target(%arg9 : memref<64x64xf32, #tpu.memory_space<vmem>>) offsets(%arg8 : memref<64xi32, #tpu.memory_space<vmem>>) semaphore(%arg10 : memref<!tpu.dma_semaphore, #tpu.memory_space<semaphore_mem>>)
      %dma_wait3A = arith.constant 0 : i32
      %dma_wait3A_20 = arith.constant 0 : i32
      %dma_wait3A_21 = tpu.memref_slice %arg5[%dma_wait3A, %dma_wait3A_20] : memref<119x64xf32, #tpu.memory_space<vmem_shared>> -> memref<119x64xf32, #tpu.memory_space<vmem_shared>>
      tpu.wait_indirect_dma semaphore(%arg10 : memref<!tpu.dma_semaphore, #tpu.memory_space<semaphore_mem>>) src(%dma_wait3A_21 : memref<119x64xf32, #tpu.memory_space<vmem_shared>>) dst(%arg9 : memref<64x64xf32, #tpu.memory_space<vmem>>)
      "tpu.region"() ({
        %run_scoped3A = tpu.sem_alloc : memref<!tpu.dma_semaphore, #tpu.memory_space<semaphore_mem>>
        %dma_start3A_22 = arith.constant 0 : i32
        %dma_start3A_23 = tpu.memref_slice %arg4[%add3A_17, %dma_start3A_22] : memref<1000000x64xf32, #tpu.memory_space<hbm>> -> memref<64x64xf32, #tpu.memory_space<hbm>>
        %dma_start3A_24 = arith.constant 0 : i32
        %dma_start3A_25 = tpu.memref_slice %arg4[%add3A_17, %dma_start3A_24] : memref<1000000x64xf32, #tpu.memory_space<hbm>> -> memref<64x64xf32, #tpu.memory_space<hbm>>
        tpu.enqueue_dma source(%arg9 : memref<64x64xf32, #tpu.memory_space<vmem>>) target(%dma_start3A_25 : memref<64x64xf32, #tpu.memory_space<hbm>>) target_semaphore(%run_scoped3A : memref<!tpu.dma_semaphore, #tpu.memory_space<semaphore_mem>>)
        %dma_wait3A_26 = arith.constant 0 : i32
        %dma_wait3A_27 = tpu.memref_slice %arg4[%add3A_17, %dma_wait3A_26] : memref<1000000x64xf32, #tpu.memory_space<hbm>> -> memref<64x64xf32, #tpu.memory_space<hbm>>
        %dma_wait3A_28 = arith.constant 0 : i32
        %dma_wait3A_29 = tpu.memref_slice %arg4[%add3A_17, %dma_wait3A_28] : memref<1000000x64xf32, #tpu.memory_space<hbm>> -> memref<64x64xf32, #tpu.memory_space<hbm>>
        tpu.wait_dma2 semaphore(%run_scoped3A : memref<!tpu.dma_semaphore, #tpu.memory_space<semaphore_mem>>) src(%arg9 : memref<64x64xf32, #tpu.memory_space<vmem>>) dst(%dma_wait3A_29 : memref<64x64xf32, #tpu.memory_space<hbm>>)
        tpu.yield
      }) : () -> ()
    } else {
    }
    return
  }
}

</mosaic_0001>

<sc_bundles>
// kernel: _sc_gather.3.cloned.1.call-start
scs
__scs_entry_jumppad:
0x0: {  	(pc) =	sbr.rel $0x88, $3  }
0x1: {  	(tag) =	ssettag $0x0;
	lr =	simm.s32 $0x1  }
0x2: {  	[smem:$0x3F9F] =	sst lr;
	_ =	strace $0xD0000000  }
0x3: {  	_ = 	snop  }
0x4: {  	_ = 	snop  }
0x5: {  	_ = 	snop  }
0x6: {  	_ = 	snop  }
0x7: {  	_ = 	snop  }
__scs_overlays_trampoline_lowered:
0x8: {  	[smem:$0x3FAE] =	sst s0  }
0x9: {  	[smem:$0x3FAF] =	sst s1  }
0xa: {  	[smem:$0x3FB0] =	sst s2  }
0xb: {  	[smem:$0x3FB1] =	sst s3  }
0xc: {  	[smem:$0x3FB2] =	sst s4  }
0xd: {  	[smem:$0x3FB3] =	sst s5  }
0xe: {  	[smem:$0x3FB4] =	sst s6  }
0xf: {  	[smem:$0x3FB5] =	sst s7  }
0x10: {  	[smem:$0x3FB6] =	sst s8  }
0x11: {  	[smem:$0x3FB7] =	sst s9;
	s0 =	simm.s32 @!p0 $0x0  }
0x12: {  	s1 =	sld [smem:$0x3F9D];
	s0 =	simm.s32 @p0 $0x1  }
0x13: {  	[smem:$0x3FB8] =	sst s0;
	s0 =	simm.s32 @!p1 $0x0  }
0x14: {  	s2 =	sld [smem:$0x3F9C];
	s0 =	simm.s32 @p1 $0x1  }
0x15: {  	[smem:$0x3FB9] =	sst s0;
	s0 =	simm.s32 @!p2 $0x0  }
0x16: {  	s3 =	sld [smem:$0x3FDB];
	s0 =	simm.s32 @p2 $0x1  }
0x17: {  	s4 =	simm.s32 $0x1BF5;
	[smem:$0x3FBB] =	sst s0  }
0x18: {  	s0 =	sld [smem:$0x3F9E];
	_ =	swait.ge [sflag:s4], $0x0  }
0x19: {  	s7 =	sld [smem:$0x3F9F]  }
0x1a: {  	s8 =	sadd.s32 $0xFFFFE003, lr  }
0x1b: {  	s9 =	sadd.s32 $0xFFFFFEF7, lr;
	s5 =	simm.s32 $0xFFFFFFFF;
	p2 =	slt.u32 s8, $0xFFFFF086  }
0x1c: {  	p1 =	slt.u32 s9, $0xF7A;
	s5 =	simm.s32 @!p2 $0x0  }
0x1d: {  	s5 =	simm.s32 @p1 $0x1;
	p0 =	seq.s32 s7, s2  }
0x1e: {  	s7 =	smul.u32 @!p0 $0xF7A, s2;
	p2 =	seq.s32 @!p0 s5, $0x0  }
0x1f: {  	s9 =	smul.u32 $0xF7A, s1;
	s8 =	simm.s32 @!p0 $0x1BF5;
	p2 =	por !p2, p0  }
0x20: {  	[sflag:s8] =	ssyncset.s32 @!p0 $0xFFFFF086;
	s6 =	sadd.s32 @!p0 s3, s7;
	s7 =	simm.s32 @!p0 $0x108  }
0x21: {  	s3 =	sadd.s32 s3, s9;
	s6 =	sadd.s32 @!p0 $0x88, s6;
	s7 =	simm.s32 @p2 $0x1082  }
0x22: {  	[simem:s7], [sflag:s8] =	dma.local @!p0 [hbm:s6], $0xF7A  }
0x23: {  	s9 =	sor.u32 $0xD0000000, s2;
	s6 =	simm.s32 $0x108;
	_ =	swait.ge @!p0 [sflag:s8], $0x0  }
0x24: {  	s3 =	sadd.s32 $0x88, s3;
	s6 =	simm.s32 @!p1 $0x1082;
	[sflag:s4] =	ssyncset.s32 $0xFFFFF086  }
0x25: {  	[simem:s6], [sflag:s4] =	dma.local [hbm:s3], $0xF7A  }
0x26: {  	[smem:$0x3F9F] =	sst s1;
	(tag) =	ssettag s2;
	_ =	strace s9  }
0x27: {  	s1 =	sld [smem:$0x3FAF]  }
0x28: {  	s2 =	sld [smem:$0x3FB0]  }
0x29: {  	s4 =	sld [smem:$0x3FB2]  }
0x2a: {  	p0 =	seq.s32 s5, $0x0;
	s5 =	sld [smem:$0x3FB3]  }
0x2b: {  	s6 =	sld [smem:$0x3FB4]  }
0x2c: {  	s7 =	sld [smem:$0x3FB5]  }
0x2d: {  	s3 =	simm.s32 $0x108;
	s8 =	sld [smem:$0x3FB6]  }
0x2e: {  	s3 =	simm.s32 @!p0 $0x1082;
	s9 =	sld [smem:$0x3FB7]  }
0x2f: {  	lr =	sadd.s32 s0, s3;
	s0 =	sld [smem:$0x3FAE]  }
0x30: {  	s3 =	sld [smem:$0x3FB1]  }
0x31: {  	[smem:$0x3FBA] =	sst s10  }
0x32: {  	s10 =	sld [smem:$0x3FB8];
	_ =	sdelay $0x3  }
0x33: {  	p0 =	seq.s32 s10, $0x1;
	s10 =	sld [smem:$0x3FBA];
	_ =	sdelay $0x3  }
0x34: {  	[smem:$0x3FBA] =	sst s10  }
0x35: {  	s10 =	sld [smem:$0x3FB9];
	_ =	sdelay $0x3  }
0x36: {  	p1 =	seq.s32 s10, $0x1;
	s10 =	sld [smem:$0x3FBA];
	_ =	sdelay $0x3  }
0x37: {  	[smem:$0x3FBA] =	sst s10  }
0x38: {  	s10 =	sld [smem:$0x3FBB]  }
0x39: {  	_ = 	snop;
	(pc) =	sbr.ind lr, $3  }
0x3a: {  	_ = 	snop  }
0x3b: {  	_ = 	snop  }
0x3c: {  	p2 =	seq.s32 s10, $0x1;
	s10 =	sld [smem:$0x3FBA]  }
0x3d: {  	_ =	shalt  }
0x3e: {  	_ =	shalt  }
0x3f: {  	_ =	shalt  }
0x40: {  	_ =	shalt  }
0x41: {  	_ =	shalt  }
0x42: {  	_ =	shalt  }
0x43: {  	_ =	shalt  }
0x44: {  	_ =	shalt  }
0x45: {  	_ =	shalt  }
0x46: {  	_ =	shalt  }
0x47: {  	_ =	shalt  }
0x48: {  	_ =	shalt  }
0x49: {  	_ =	shalt  }
0x4a: {  	_ =	shalt  }
0x4b: {  	_ =	shalt  }
0x4c: {  	_ =	shalt  }
0x4d: {  	_ =	shalt  }
0x4e: {  	_ =	shalt  }
0x4f: {  	_ =	shalt  }
0x50: {  	_ =	shalt  }
0x51: {  	_ =	shalt  }
0x52: {  	_ =	shalt  }
0x53: {  	_ =	shalt  }
0x54: {  	_ =	shalt  }
0x55: {  	_ =	shalt  }
0x56: {  	_ =	shalt  }
0x57: {  	_ =	shalt  }
0x58: {  	_ =	shalt  }
0x59: {  	_ =	shalt  }
0x5a: {  	_ =	shalt  }
0x5b: {  	_ =	shalt  }
0x5c: {  	_ =	shalt  }
0x5d: {  	_ =	shalt  }
0x5e: {  	_ =	shalt  }
0x5f: {  	_ =	shalt  }
0x60: {  	_ =	shalt  }
0x61: {  	_ =	shalt  }
0x62: {  	_ =	shalt  }
0x63: {  	_ =	shalt  }
0x64: {  	_ =	shalt  }
0x65: {  	_ =	shalt  }
0x66: {  	_ =	shalt  }
0x67: {  	_ =	shalt  }
0x68: {  	_ =	shalt  }
0x69: {  	_ =	shalt  }
0x6a: {  	_ =	shalt  }
0x6b: {  	_ =	shalt  }
0x6c: {  	_ =	shalt  }
0x6d: {  	_ =	shalt  }
0x6e: {  	_ =	shalt  }
0x6f: {  	_ =	shalt  }
0x70: {  	_ =	shalt  }
0x71: {  	_ =	shalt  }
0x72: {  	_ =	shalt  }
0x73: {  	_ =	shalt  }
0x74: {  	_ =	shalt  }
0x75: {  	_ =	shalt  }
0x76: {  	_ =	shalt  }
0x77: {  	_ =	shalt  }
0x78: {  	_ =	shalt  }
0x79: {  	_ =	shalt  }
0x7a: {  	_ =	shalt  }
0x7b: {  	_ =	shalt  }
0x7c: {  	_ =	shalt  }
0x7d: {  	_ =	shalt  }
0x7e: {  	_ =	shalt  }
0x7f: {  	_ =	shalt  }
0x80: {  	_ =	shalt  }
0x81: {  	_ =	shalt  }
0x82: {  	_ =	shalt  }
0x83: {  	_ =	shalt  }
0x84: {  	_ =	shalt  }
0x85: {  	_ =	shalt  }
0x86: {  	_ =	shalt  }
0x87: {  	_ =	shalt  }
.Lfunc_end0:
.L_simem_size_0:
called_computation.1_lowered:
.L_overlay_start_0:
0x88: {  	s2 =	sld [smem:$0x3FD9]  }
0x89: {  	s3 =	sld [smem:$0x3FFE];
	_ =	sdelay $0x1  }
0x8a: {  	s1 =	srdreg.scid  }
0x8b: {  	s0 =	sand.u32 $0x1, s1  }
0x8c: {  	s17 =	sshll.u32 s0, $0xA;
	s2 =	sadd.s32 s3, s2  }
0x8d: {  	s2 =	sadd.s32 s2, s17  }
0x8e: {  	[smem:$0x3FC6] =	sst s2  }
0x8f: {  	_ = 	snop  }
0x90: {  	s2 =	sld [smem:$0x3FC9]  }
0x91: {  	s18 =	sld [smem:$0x3FD0];
	(tm) =	ssettm $0x1  }
0x92: {  	s4 =	sld [smem:$0x3FFB];
	_ =	sdelay $0x3  }
0x93: {  	_ =	strace s4  }
0x94: {  	s4 =	sld [smem:$0x3FFC];
	_ =	sdelay $0x3  }
0x95: {  	_ =	strace s4  }
0x96: {  	s4 =	sld [smem:$0x3FFD];
	_ =	sdelay $0x3  }
0x97: {  	_ =	strace s4  }
0x98: {  	_ =	strace $0x8FFFFFFF  }
0x99: {  	s19 =	sld [smem:$0x3FDB];
	_ =	sdelay $0x1  }
0x9a: {  	s5 =	simm.s32 $_scs_section_size  }
0x9b: {  	s6 =	simm.s32 $_size__tile_overlayer_lowered;
	s7 =	simm.s32 $_tile_overlayer_lowered  }
0x9c: {  	s22 =	simm.s32 $0x1BFF;
	s21 =	sshll.u32 s7, $0x1;
	s4 =	sadd.s32 s5, s19  }
0x9d: {  	s8 =	simm.s32 $0x0;
	s20 =	sshll.u32 s6, $0x1;
	s6 =	sadd.s32 s21, s4  }
0x9e: {  	[timem:s8], [sflag:s22] =	dma.local [hbm:s6], s20  }
0x9f: {  	_ =	swait.ge [sflag:s22], s20  }
0xa0: {  	s5 =	ssub.s32 $0x0, s20;
	[sflag:s22] =	ssyncset.done $0x0  }
0xa1: {  	[sflag:s22] =	ssyncadd.s32 s5;
	_ =	sdelay $0x1  }
0xa2: {  	s23 =	simm.s32 $0x1B8B  }
0xa3: {  	_ =	swait.ge [sflag:s23], $0x1  }
0xa4: {  	[sflag:s23] =	ssyncset.done $0x0  }
0xa5: {  	s25 =	simm.s32 $0x1B8E;
	s24 =	sld [smem:$0x3FFE];
	[sflag:s23] =	ssyncadd.s32 $0xFFFFFFFF  }
0xa6: {  	s26 =	simm.s32 $execute0_lowered;
	[smem:$0x3FD2] =	sst s25  }
0xa7: {  	s6 =	sshll.u32 s26, $0x1;
	_ =	strace $0x80000046;
	[dreg:$0x1] =	wrdreg $0xFFFFFFFF  }
0xa8: {  	s28 =	simm.s32 $_size_execute0_lowered;
	s4 =	sadd.s32 s4, s6;
	[dreg:$0x0] =	wrdreg $0x0  }
0xa9: {  	s6 =	sshll.u32 s28, $0x1;
	[dreg:$0x2] =	wrdreg s4  }
0xaa: {  	[dreg:$0x3] =	wrdreg s6  }
0xab: {  	[dreg:$0x4] =	wrdreg $0xC0  }
0xac: {  	_ =	task [dreg:s8], $0x5FFFF  }
0xad: {  	[dreg:$0x1] =	wrdreg $0xFFFFFFFF  }
0xae: {  	[dreg:$0x0] =	wrdreg $0x60  }
0xaf: {  	[dreg:$0x2] =	wrdreg s2  }
0xb0: {  	[dreg:$0x3] =	wrdreg s24  }
0xb1: {  	[dreg:$0x4] =	wrdreg s18  }
0xb2: {  	[dreg:$0x5] =	wrdreg $0x0  }
0xb3: {  	[dreg:$0x6] =	wrdreg $0x9  }
0xb4: {  	_ =	task.clear_ibuf [dreg:s8], $0x7FFFF;
	_ =	strace $0x90000046  }
0xb5: {  	s29 =	simm.s32 $0x9;
	_ =	strace $0x80000048  }
0xb6: {  	_ =	swait.ge [sflag:s29], $0x1  }
0xb7: {  	[sflag:s29] =	ssyncadd.s32 $0xFFFFFFFF  }
0xb8: {  	_ =	strace $0x90000048  }
0xb9: {  	_ =	sfence  }
0xba: {  	s30 =	sld [smem:$0x0];
	_ =	sdelay $0x2  }
0xbb: {  	s31 =	sshll.u32 s1, $0xD;
	s1 =	sshrl.u32 s1, $0x2  }
0xbc: {  	s3 =	sand.u32 $0x4000, s31;
	s1 =	sadd.s32 s1, s30  }
0xbd: {  	s0 =	sor.u32 s3, s0;
	s1 =	sshll.u32 s1, $0x11  }
0xbe: {  	s0 =	sor.u32 s1, s0  }
0xbf: {  	s0 =	sadd.s32 $0x8F2B, s0  }
0xc0: {  	[sflag:s0] =	ssyncadd.remote.s32 $0x1  }
0xc1: {  	_ =	sfence.sel $0xFFFF  }
0xc2: {  	[dreg:$0x0] =	wrdreg $0xFFFFFFFF;
	(pc) =	sbr.abs _section_cstart, $3  }
0xc3: {  	[dreg:$0x1] =	wrdreg $0xFFFFFFFF  }
0xc4: {  	_ =	task.clear_ibuf [dreg:s8], $0x2FFFF;
	_ =	strace $0x9FFFFFFF  }
0xc5: {  	(tm) =	ssettm $0x7FFFFFFF  }
tec
execute0_lowered:
.L_overlay_start_1:
0x0: {  	(tag) =	ssettag $0x1  }
0x1: {  	s8 =	rddreg [dreg:$0x0]  }
0x2: {  	s3 =	rddreg [dreg:$0x1]  }
0x3: {  	s7 =	rddreg [dreg:$0x2]  }
0x4: {  	s1 =	rddreg [dreg:$0x3]  }
0x5: {  	s0 =	rddreg [dreg:$0x4];
	s2 =	simm.s32 $0x0;
	s4 =	srdreg.scid  }
0x6: {  	s9 =	stileid.u32;
	[smem:$0x7FF] =	sst s2  }
0x7: {  	s6 =	sand.u32 $0x1, s4;
	s25 =	sshll.u32 s9, $0x1;
	s11 =	smul.u32 $0x7A000, s9  }
0x8: {  	s3 =	sadd.s32 $0x800, s3;
	s29 =	smul.u32 $0xF400, s9;
	p0 =	sne.s32 s9, $0x0  }
0x9: {  	_ =	strace $0x80000047;
	s5 =	ssub.s32 $0x2, s6;
	s14 =	smul.u32 $0x7A00, s6  }
0xa: {  	s15 =	sor.u32 s6, s25;
	s31 =	smul.u32 $0x3D000, s6;
	s9 =	sshrl.u32 @!p0 s1, $0x3  }
0xb: {  	s26 =	sshrl.u32 s5, $0x1;
	s10 =	sshll.u32 s15, $0x6;
	p1 =	sgt.u32 s15, $0x8  }
0xc: {  	s15 =	simm.s32 $0x0;
	s12 =	ssub.s32 s5, s26;
	s28 =	sor.u32 $0xF4000, s10  }
0xd: {  	s10 =	sadd.s32 s14, s29;
	s14 =	simm.s32 $0x1;
	s30 =	sshrl.u32 s28, $0x3  }
0xe: {  	s13 =	sshll.u32 s28, $0x3;
	s6 =	smax.u32 s12, $0x1;
	s10 =	sshrl.u32 s10, $0x3  }
0xf: {  	s12 =	simm.s32 $0x80;
	s4 =	sadd.s32 s8, s30;
	s5 =	sadd.s32 s7, s13  }
0x10: {  	s7 =	sadd.s32 s11, s7;
	s8 =	sadd.s32 s10, s8;
	s10 =	simm.s32 $0x1E0  }
0x11: {  	s11 =	simm.s32 $0x2;
	s13 =	simm.s32 $0x260;
	s7 =	sadd.s32 s31, s7  }
.LBB2_1:
0x12: {  	s16 =	simm.s32 @!p0 $0x1C02  }
0x13: {  	[spmem:s9], [sflag:s16] =	dma.local @!p0 [hbm:s3], $0x3B8  }
0x14: {  	s16 =	simm.s32 @!p0 $0x2  }
0x15: {  	_ =	swait.ge @!p0 [sflag:s16], $0x3B8  }
0x16: {  	[sflag:s16] =	ssyncset.done @!p0 $0x0  }
0x17: {  	[sflag:s16] =	ssyncadd.s32 @!p0 $0xFFFFFC48  }
0x18: {  	s31 =	sadd.s32 $0x0, s8;
	[bflag:$0x0] =	sbarrier.arrive $0xFFFF  }
0x19: {  	[tilespmem:s10], [sflag:$0x2] =	stream.linear.gather [hbm4b:s31+s2], $0x80, $0x38;
	[tilespmem:$0x32A0] =	vst v63  }
0x1a: {  	_ =	swait.ge [sflag:s11], $0x80  }
0x1b: {  	[sflag:s11] =	ssyncset.done $0x0  }
0x1c: {  	[sflag:s11] =	ssyncadd.s32 $0xFFFFFF80  }
0x1d: {  	[tilespmem:s13], [sflag:$0x1] =	stream.indirect.gather [spmem:s1], $0x40, s10, s12, $0xb8;
	[tilespmem:$0x32A0] =	vst v63  }
0x1e: {  	_ =	swait.ge [sflag:s14], $0x2000  }
0x1f: {  	[sflag:s14] =	ssyncset.done $0x0  }
0x20: {  	[sflag:s14] =	ssyncadd.s32 $0xFFFFE000  }
0x21: {  	[hbm4b:s7+s2] =	stream.linear.scatter [tilespmem:s13], [sflag:$0x2], $0x2000, $0x38;
	[tilespmem:$0x32A0] =	vst v63  }
0x22: {  	s17 =	simm.s32 $0x10;
	_ =	swait.ge [sflag:s11], $0x2000  }
0x23: {  	s18 =	simm.s32 $0x20;
	s16 =	sadd.s32 $0x400, s7;
	[sflag:s11] =	ssyncset.done $0x0  }
.LBB2_2:
0x24: {  	s19 =	sadd.s32 s17, s8  }
0x25: {  	[sflag:s11] =	ssyncadd.s32 $0xFFFFE000;
	s17 =	smov.u32 s18;
	s20 =	sadd.s32 $0x10, s18  }
0x26: {  	[tilespmem:s10], [sflag:$0x2] =	stream.linear.gather [hbm4b:s19+s2], $0x80, $0x38;
	[tilespmem:$0x32A0] =	vst v63  }
0x27: {  	p2 =	sne.s32 s18, $0xF30;
	_ =	swait.ge [sflag:s11], $0x80  }
0x28: {  	[sflag:s11] =	ssyncset.done $0x0  }
0x29: {  	[sflag:s11] =	ssyncadd.s32 $0xFFFFFF80  }
0x2a: {  	[tilespmem:s13], [sflag:$0x1] =	stream.indirect.gather [spmem:s1], $0x40, s10, s12, $0xb8;
	[tilespmem:$0x32A0] =	vst v63  }
0x2b: {  	_ =	swait.ge [sflag:s14], $0x2000  }
.Ltmp0:
0x2c: {  	[sflag:s14] =	ssyncset.done $0x0;
	(pc) =	sbr.rel @p2 .LBB2_2-.Ltmp0, $4  }
0x2d: {  	[sflag:s14] =	ssyncadd.s32 $0xFFFFE000  }
0x2e: {  	[hbm4b:s16+s2] =	stream.linear.scatter [tilespmem:s13], [sflag:$0x2], $0x2000, $0x38;
	[tilespmem:$0x32A0] =	vst v63  }
0x2f: {  	_ =	swait.ge [sflag:s11], $0x2000  }
0x30: {  	s18 =	smov.u32 s20;
	s16 =	sadd.s32 $0x400, s16;
	[sflag:s11] =	ssyncset.done $0x0  }
0x31: {  	s17 =	sadd.s32 s17, s8;
	[sflag:s11] =	ssyncadd.s32 $0xFFFFE000  }
0x32: {  	[tilespmem:s10], [sflag:$0x2] =	stream.linear.gather [hbm4b:s17+s2], $0x80, $0x38;
	[tilespmem:$0x32A0] =	vst v63  }
0x33: {  	_ =	swait.ge [sflag:s11], $0x80  }
0x34: {  	[sflag:s11] =	ssyncset.done $0x0  }
0x35: {  	[sflag:s11] =	ssyncadd.s32 $0xFFFFFF80  }
0x36: {  	[tilespmem:s13], [sflag:$0x1] =	stream.indirect.gather [spmem:s1], $0x40, s10, s12, $0xb8;
	[tilespmem:$0x32A0] =	vst v63  }
0x37: {  	_ =	swait.ge [sflag:s14], $0x2000  }
0x38: {  	[sflag:s14] =	ssyncset.done $0x0  }
0x39: {  	[sflag:s14] =	ssyncadd.s32 $0xFFFFE000  }
0x3a: {  	[hbm4b:s16+s2] =	stream.linear.scatter [tilespmem:s13], [sflag:$0x2], $0x2000, $0x38;
	[tilespmem:$0x32A0] =	vst v63  }
0x3b: {  	_ =	swait.ge [sflag:s11], $0x2000  }
0x3c: {  	s18 =	simm.s32 @!p1 $0x2;
	[sflag:s11] =	ssyncset.done $0x0  }
0x3d: {  	s17 =	simm.s32 @!p1 $0x2260;
	s16 =	simm.s32 @!p1 $0x0;
	[sflag:s11] =	ssyncadd.s32 $0xFFFFE000  }
0x3e: {  	[tilespmem:s17], [sflag:$0x2] =	stream.linear.gather @!p1 [hbm4b:s4+s16], $0x40, $0x38;
	[tilespmem:$0x32A0] =	vst v63  }
0x3f: {  	_ =	swait.ge @!p1 [sflag:s18], $0x40  }
0x40: {  	[sflag:s18] =	ssyncset.done @!p1 $0x0  }
0x41: {  	s19 =	simm.s32 @!p1 $0x40;
	s20 =	simm.s32 @!p1 $0x22A0;
	[sflag:s18] =	ssyncadd.s32 @!p1 $0xFFFFFFC0  }
0x42: {  	[tilespmem:s20], [sflag:$0x1] =	stream.indirect.gather @!p1 [spmem:s1], $0x40, s17, s19, $0xb8;
	[tilespmem:$0x32A0] =	vst v63  }
0x43: {  	s17 =	simm.s32 @!p1 $0x1  }
0x44: {  	s15 =	sadd.s32 $0x1, s15;
	_ =	swait.ge @!p1 [sflag:s17], $0x1000  }
0x45: {  	p2 =	sne.s32 s15, s6;
	[sflag:s17] =	ssyncset.done @!p1 $0x0  }
.Ltmp1:
0x46: {  	[sflag:s17] =	ssyncadd.s32 @!p1 $0xFFFFF000;
	(pc) =	sbr.rel @p2 .LBB2_1-.Ltmp1, $4  }
0x47: {  	[hbm4b:s5+s16] =	stream.linear.scatter @!p1 [tilespmem:s20], [sflag:$0x2], $0x1000, $0x38;
	[tilespmem:$0x32A0] =	vst v63  }
0x48: {  	_ =	swait.ge @!p1 [sflag:s18], $0x1000  }
0x49: {  	[sflag:s18] =	ssyncset.done @!p1 $0x0  }
0x4a: {  	[sflag:s18] =	ssyncadd.s32 @!p1 $0xFFFFF000  }
0x4b: {  	_ =	sfence.sel $0x180000  }
0x4c: {  	[bflag:$0x0] =	sbarrier.arrive $0xFFFF  }
0x4d: {  	_ =	strace $0x90000047  }
0x4e: {  	s0 =	sadd.s32 @!p0 $0x100000, s0;
	[bflag:$0x2] =	sbarrier.arrive $0xFFFF  }
0x4f: {  	[sflag:s0] =	ssyncadd.tile.s32 @!p0 $0x1;
	_ =	shalt  }
.Lfunc_end2:
_tile_overlayer_lowered:
.L_overlay_start_2:
0x50: {  	(tag) =	ssettag $0x2  }
0x51: {  	s0 =	rddreg [dreg:$0x0];
	s2 =	stileid.u32  }
0x52: {  	s1 =	rddreg [dreg:$0x1];
	p0 =	sne.s32 s2, $0x0  }
0x53: {  	s3 =	rddreg [dreg:$0x2];
	[bflag:$0x3] =	sbarrier.arrive $0xFFFF;
	s2 =	simm.s32 @!p0 $0x1C02  }
0x54: {  	[timem:s3], [sflag:s2] =	dma.local @!p0 [hbm:s0], s1  }
0x55: {  	s0 =	simm.s32 @!p0 $0x2  }
0x56: {  	_ =	swait.ge @!p0 [sflag:s0], s1  }
0x57: {  	s1 =	ssub.s32 @!p0 $0x0, s1;
	[sflag:s0] =	ssyncset.done @!p0 $0x0  }
0x58: {  	[sflag:s0] =	ssyncadd.s32 @!p0 s1  }
0x59: {  	[bflag:$0x3] =	sbarrier.arrive $0xFFFF  }
0x5a: {  	_ =	shalt  }

// kernel: sparse-core-data-format-call.cloned.1.call-start
scs
called_computation_lowered:
.L_overlay_start_0:
0x0: {  	s2 =	sld [smem:$0x3FD9]  }
0x1: {  	s3 =	sld [smem:$0x3FFE];
	_ =	sdelay $0x1  }
0x2: {  	s1 =	srdreg.scid  }
0x3: {  	s0 =	sand.u32 $0x1, s1  }
0x4: {  	s18 =	sshll.u32 s0, $0xA;
	s2 =	sadd.s32 s3, s2  }
0x5: {  	s2 =	sadd.s32 s2, s18  }
0x6: {  	[smem:$0x3FC6] =	sst s2  }
0x7: {  	_ = 	snop  }
0x8: {  	s2 =	sld [smem:$0x3FD0];
	(tm) =	ssettm $0x1  }
0x9: {  	s19 =	sld [smem:$0x3FFB];
	_ =	sdelay $0x3  }
0xa: {  	_ =	strace s19  }
0xb: {  	s3 =	sld [smem:$0x3FFC];
	_ =	sdelay $0x3  }
0xc: {  	_ =	strace s3  }
0xd: {  	s3 =	sld [smem:$0x3FFD];
	_ =	sdelay $0x3  }
0xe: {  	_ =	strace s3  }
0xf: {  	_ =	strace $0x8FFFFFFF  }
0x10: {  	s20 =	sld [smem:$0x3FDB];
	_ =	sdelay $0x1  }
0x11: {  	s4 =	simm.s32 $_scs_section_size  }
0x12: {  	s5 =	simm.s32 $_size__tile_overlayer_lowered;
	s6 =	simm.s32 $_tile_overlayer_lowered  }
0x13: {  	s23 =	simm.s32 $0x1BFF;
	s22 =	sshll.u32 s6, $0x1;
	s3 =	sadd.s32 s4, s20  }
0x14: {  	s7 =	simm.s32 $0x0;
	s21 =	sshll.u32 s5, $0x1;
	s5 =	sadd.s32 s22, s3  }
0x15: {  	[timem:s7], [sflag:s23] =	dma.local [hbm:s5], s21  }
0x16: {  	_ =	swait.ge [sflag:s23], s21  }
0x17: {  	s4 =	ssub.s32 $0x0, s21;
	[sflag:s23] =	ssyncset.done $0x0  }
0x18: {  	[sflag:s23] =	ssyncadd.s32 s4;
	_ =	sdelay $0x1  }
0x19: {  	s24 =	simm.s32 $0x1B8B  }
0x1a: {  	_ =	swait.ge [sflag:s24], $0x1  }
0x1b: {  	[sflag:s24] =	ssyncset.done $0x0  }
0x1c: {  	s26 =	simm.s32 $0x1B8E;
	s25 =	sld [smem:$0x3FFE];
	[sflag:s24] =	ssyncadd.s32 $0xFFFFFFFF  }
0x1d: {  	s27 =	simm.s32 $execute0_lowered;
	[smem:$0x3FD2] =	sst s26  }
0x1e: {  	s5 =	sshll.u32 s27, $0x1;
	_ =	strace $0x80000049;
	[dreg:$0x1] =	wrdreg $0xFFFFFFFF  }
0x1f: {  	s28 =	simm.s32 $_size_execute0_lowered;
	s3 =	sadd.s32 s3, s5;
	[dreg:$0x0] =	wrdreg $0x0  }
0x20: {  	s5 =	sshll.u32 s28, $0x1;
	[dreg:$0x2] =	wrdreg s3  }
0x21: {  	[dreg:$0x3] =	wrdreg s5  }
0x22: {  	[dreg:$0x4] =	wrdreg $0xC0  }
0x23: {  	_ =	task [dreg:s7], $0x5FFFF  }
0x24: {  	[dreg:$0x1] =	wrdreg $0xFFFFFFFF  }
0x25: {  	[dreg:$0x0] =	wrdreg $0x60  }
0x26: {  	[dreg:$0x2] =	wrdreg s25  }
0x27: {  	[dreg:$0x3] =	wrdreg s2  }
0x28: {  	[dreg:$0x4] =	wrdreg $0x9  }
0x29: {  	_ =	task.clear_ibuf [dreg:s7], $0x5FFFF;
	_ =	strace $0x90000049  }
0x2a: {  	s29 =	simm.s32 $0x9;
	_ =	strace $0x8000004B  }
0x2b: {  	_ =	swait.ge [sflag:s29], $0x1  }
0x2c: {  	[sflag:s29] =	ssyncadd.s32 $0xFFFFFFFF  }
0x2d: {  	_ =	strace $0x9000004B  }
0x2e: {  	_ =	sfence  }
0x2f: {  	s30 =	sld [smem:$0x0];
	_ =	sdelay $0x2  }
0x30: {  	s31 =	sshll.u32 s1, $0xD;
	s1 =	sshrl.u32 s1, $0x2  }
0x31: {  	s3 =	sand.u32 $0x4000, s31;
	s1 =	sadd.s32 s1, s30  }
0x32: {  	s0 =	sor.u32 s3, s0;
	s1 =	sshll.u32 s1, $0x11  }
0x33: {  	s0 =	sor.u32 s1, s0  }
0x34: {  	s0 =	sadd.s32 $0x8F2B, s0  }
0x35: {  	[sflag:s0] =	ssyncadd.remote.s32 $0x1  }
0x36: {  	_ =	sfence.sel $0xFFFF  }
0x37: {  	[dreg:$0x0] =	wrdreg $0xFFFFFFFF;
	(pc) =	sbr.abs _section_cstart, $3  }
0x38: {  	[dreg:$0x1] =	wrdreg $0xFFFFFFFF  }
0x39: {  	_ =	task.clear_ibuf [dreg:s7], $0x2FFFF;
	_ =	strace $0x9FFFFFFF  }
0x3a: {  	(tm) =	ssettm $0x7FFFFFFF  }
0x3b: {  	_ =	shalt  }
tec
execute0_lowered:
.L_overlay_start_1:
0x0: {  	(tag) =	ssettag $0x1  }
0x1: {  	s4 =	rddreg [dreg:$0x0]  }
0x2: {  	s0 =	srdreg.scid;
	s2 =	rddreg [dreg:$0x1]  }
0x3: {  	s1 =	stileid.u32;
	s5 =	simm.s32 $0x1;
	s0 =	sshll.u32 s0, $0x4  }
0x4: {  	s7 =	simm.s32 $0x2;
	s11 =	simm.s32 $0x0;
	s3 =	sand.u32 $0x10, s0  }
.Ltmp0:
0x5: {  	p0 =	por $0x0, $0x0;
	s3 =	sor.u32 s1, s3;
	(pc) =	sbr.rel .LBB1_1-.Ltmp0, $4  }
0x6: {  	s8 =	simm.s32 $0x7A1400;
	s10 =	simm.s32 $0x0;
	s3 =	sshll.u32 s3, $0x7  }
0x7: {  	s0 =	rddreg [dreg:$0x2];
	_ =	strace $0x8000004A;
	s6 =	ssub.s32 $0xF4200, s3  }
0x8: {  	s4 =	sadd.s32 $0x800, s4;
	[sflag:s5] =	ssyncpa.u1 $0x0;
	s6 =	sshrl.u32 s6, $0xC  }
0x9: {  	[sflag:s7] =	ssyncpa.u1 $0x0;
	s9 =	smov.u32 s3;
	s7 =	sadd.s32 $0x2, s6  }
.LBB1_5:
0xa: {  	s13 =	sadd.s32 $0x1000, s9  }
0xb: {  	p2 =	sgt.s32 s13, $0xF423F  }
0xc: {  	s13 =	smov.u32 @p2 s3;
	p2 =	sne.s32 s10, s7  }
.Ltmp1:
0xd: {  	p1 =	slt.u32 s10, $0x2;
	(pc) =	sbr.rel @!p2 .LBB1_6-.Ltmp1, $4  }
0xe: {  	s12 =	simm.s32 @!p1 $0x2  }
0xf: {  	s14 =	sadd.s32 $0x1, s10;
	_ =	swait.ge @!p1 [sflag:s12], $0x2000  }
0x10: {  	s11 =	smov.u32 s9;
	p0 =	por !p0, !p0;
	[sflag:s12] =	ssyncset.done @!p1 $0x0  }
0x11: {  	s10 =	smov.u32 s14;
	s9 =	smov.u32 s13;
	[sflag:s12] =	ssyncadd.s32 @!p1 $0xFFFFE000  }
.LBB1_1:
0x12: {  	p1 =	sgt.u32 s10, s6  }
0x13: {  	s13 =	smov.u32 s9;
	p2 =	sgt.s32 @!p1 s9, $0xF41C0  }
0x14: {  	s12 =	sand.u32 @!p1 $0x1FFFFFF, s9;
	s14 =	sshra.s32 @!p1 s9, $0x1F;
	p2 =	por !p2, p1  }
0x15: {  	s15 =	smulhi.u32 @!p1 $0x218DEF5, s12;
	s14 =	sand.u32 @!p1 s14, s9;
	s13 =	simm.s32 @p2 $0xF41C0  }
0x16: {  	s13 =	ssub.s32 @!p1 s13, s14  }
0x17: {  	s14 =	sshrl.u32 @!p1 s15, $0xD;
	s13 =	sadd.s32 @!p1 $0xFFF0BE40, s13  }
0x18: {  	s15 =	sxor.u32 @!p1 $0xFFFFFFFF, s10;
	s14 =	smul.u32 @!p1 $0xF4240, s14;
	s16 =	sshll.u32 @!p1 s13, $0x8  }
0x19: {  	s15 =	sshll.u32 @!p1 s15, $0xD;
	p2 =	sgt.s32 @!p1 s13, $0x7F;
	s13 =	ssub.s32 @!p1 $0x8000, s16  }
0x1a: {  	s12 =	ssub.s32 @!p1 s12, s14;
	p2 =	por !p2, p1;
	s14 =	sand.u32 @!p1 $0x2000, s15  }
0x1b: {  	s15 =	simm.s32 @!p1 $0x40;
	s13 =	sshrl.u32 @!p1 s13, $0x2;
	s12 =	sshll.u32 @!p1 s12, $0x4  }
0x1c: {  	s16 =	simm.s32 @!p1 $0x80;
	s13 =	simm.s32 @!p2 $0x0;
	s12 =	sadd.s32 @!p1 s4, s12  }
0x1d: {  	[tilespmem:s14], [sflag:$0x1] =	stream.strided.gather @!p1 [hbm4b:s12+s15], s13, s16, s15, $0x38;
	[tilespmem:$0x8080] =	vst v63  }
0x1e: {  	p1 =	seq.s32 s10, $0x0  }
0x1f: {  	p2 =	sge.u32 @!p1 s10, s7  }
0x20: {  	p1 =	por p1, p2  }
.Ltmp2:
0x21: {  	_ = 	snop;
	(pc) =	sbr.rel @p1 .LBB1_5-.Ltmp2, $1  }
0x22: {  	_ =	sdelay $0x3  }
0x23: {  	p1 =	sgt.s32 s11, $0xF41C0;
	s12 =	smov.u32 s11;
	s13 =	sshra.s32 s11, $0x1F  }
0x24: {  	s12 =	simm.s32 @!p1 $0xF41C0;
	s13 =	sand.u32 s13, s11  }
0x25: {  	s12 =	ssub.s32 s12, s13  }
0x26: {  	s12 =	sadd.s32 $0xFFF0BE40, s12  }
0x27: {  	s28 =	sshll.u32 s12, $0x8  }
0x28: {  	s13 =	ssub.s32 $0x8000, s28  }
0x29: {  	p1 =	sgt.s32 s12, $0x7F;
	s12 =	sshrl.u32 s13, $0x2  }
0x2a: {  	s13 =	simm.s32 $0x1;
	s12 =	simm.s32 @p1 $0x0  }
0x2b: {  	s13 =	simm.s32 @!p0 $0x0;
	_ =	swait.ge [sflag:s5], s12  }
0x2c: {  	s14 =	sshll.u32 s13, $0xD;
	s12 =	ssub.s32 $0x0, s12;
	[sflag:s5] =	ssyncset.done $0x0  }
0x2d: {  	s16 =	sor.u32 $0x20, s14;
	[sflag:s5] =	ssyncadd.s32 s12  }
0x2e: {  	s29 =	smul.u32 $0x8100, s13;
	v3 =	vld [tilespmem:s16+$0x10]  }
0x2f: {  	s30 =	sand.u32 $0x1, s10;
	v2 =	vld [tilespmem:s16+$0xFFFFFFF0]  }
0x30: {  	s13 =	smul.u32 $0x8100, s30;
	s12 =	sshrl.u32 s29, $0x2;
	v0 =	vld [tilespmem:s16+$0x0]  }
0x31: {  	s14 =	sor.u32 $0x4000, s12;
	v1 =	vld [tilespmem:s16+$0xFFFFFFE0]  }
0x32: {  	s31 =	sshrl.u32 s13, $0x2;
	s13 =	sadd.s32 $0x0, s14  }
0x33: {  	s15 =	simm.s32 $0x4;
	s12 =	sor.u32 $0x4000, s31;
	s16 =	sadd.s32 $0x40, s16;
	[tilespmem:s13+$0x1830 ss:$0x81] =	vst.msk $0xffff, v3  }
.LBB1_3:
0x34: {  	v3 =	vld [tilespmem:s16+$0x10];
	p1 =	sne.s32 s15, $0x1FC;
	[tilespmem:s13+$0x810 ss:$0x81] =	vst.msk $0xffff, v2;
	s17 =	smov.u32 s15;
	s15 =	sadd.s32 $0x4, s15  }
.Ltmp3:
0x35: {  	v2 =	vld [tilespmem:s16+$0xFFFFFFF0];
	[tilespmem:s13+$0x1020 ss:$0x81] =	vst.msk $0xffff, v0;
	(pc) =	sbr.rel @p1 .LBB1_3-.Ltmp3, $4  }
0x36: {  	v0 =	vld [tilespmem:s16+$0x0];
	[tilespmem:s13+$0x0 ss:$0x81] =	vst.msk $0xffff, v1  }
0x37: {  	s13 =	sshra.s32 s17, $0x2;
	v1 =	vld [tilespmem:s16+$0xFFFFFFE0]  }
0x38: {  	s13 =	sadd.s32 s13, s14  }
0x39: {  	s16 =	sadd.s32 $0x40, s16;
	[tilespmem:s13+$0x1830 ss:$0x81] =	vst.msk $0xffff, v3  }
0x3a: {  	s14 =	sshll.u32 s11, $0x3  }
0x3b: {  	s30 =	sand.u32 $0x7F, s11;
	s14 =	sand.u32 $0xFFFFFC00, s14  }
0x3c: {  	s11 =	sor.u32 s30, s14  }
0x3d: {  	s15 =	smulhi.u32 $0x218D6287, s11;
	_ =	sdelay $0x1  }
0x3e: {  	s14 =	smulhi.u32 $0x218D6287, s14;
	s15 =	sshrl.u32 s15, $0x11  }
0x3f: {  	s15 =	smul.u32 $0xF4280, s15  }
0x40: {  	s14 =	sshrl.u32 s14, $0x11  }
.Ltmp4:
0x41: {  	s14 =	sand.u32 $0x3F, s14;
	s11 =	ssub.s32 s11, s15;
	(pc) =	sbr.rel .LBB1_5-.Ltmp4, $4  }
0x42: {  	[tilespmem:s13+$0x810 ss:$0x81] =	vst.msk $0xffff, v2;
	s14 =	smul.u32 $0x1E850, s14;
	s15 =	sshrl.u32 s11, $0x3;
	s11 =	sand.u32 $0x7, s11  }
0x43: {  	[tilespmem:s13+$0x1020 ss:$0x81] =	vst.msk $0xffff, v0;
	s15 =	sadd.s32 s2, s15;
	s11 =	sshll.u32 s11, $0x12  }
0x44: {  	[tilespmem:s13+$0x0 ss:$0x81] =	vst.msk $0xffff, v1;
	s31 =	sadd.s32 s14, s15;
	s11 =	sor.u32 $0x400, s11  }
0x45: {  	[hbm4b:s31+s11] =	stream.strided.scatter [tilespmem:s12], [sflag:$0x2], $0x2000, s8, s11, $0x20;
	[tilespmem:$0x8080] =	vst v63  }
.LBB1_6:
0x46: {  	_ =	sfence.sel $0x180000  }
0x47: {  	s2 =	simm.s32 $0x1;
	[bflag:$0x0] =	sbarrier.arrive $0xFFFF  }
0x48: {  	s31 =	simm.s32 $0x2;
	[sflag:s2] =	ssyncpa.u1 $0x1  }
0x49: {  	[sflag:s31] =	ssyncpa.u1 $0x1  }
0x4a: {  	p0 =	sne.s32 s1, $0x0;
	_ =	strace $0x9000004A  }
0x4b: {  	s0 =	sadd.s32 @!p0 $0x100000, s0;
	[bflag:$0x2] =	sbarrier.arrive $0xFFFF  }
0x4c: {  	[sflag:s0] =	ssyncadd.tile.s32 @!p0 $0x1;
	_ =	shalt  }
.Lfunc_end1:
_tile_overlayer_lowered:
.L_overlay_start_2:
0x4d: {  	(tag) =	ssettag $0x2  }
0x4e: {  	s0 =	rddreg [dreg:$0x0];
	s2 =	stileid.u32  }
0x4f: {  	s1 =	rddreg [dreg:$0x1];
	p0 =	sne.s32 s2, $0x0  }
0x50: {  	s3 =	rddreg [dreg:$0x2];
	[bflag:$0x3] =	sbarrier.arrive $0xFFFF;
	s2 =	simm.s32 @!p0 $0x1C01  }
0x51: {  	[timem:s3], [sflag:s2] =	dma.local @!p0 [hbm:s0], s1  }
0x52: {  	s0 =	simm.s32 @!p0 $0x1  }
0x53: {  	_ =	swait.ge @!p0 [sflag:s0], s1  }
0x54: {  	s1 =	ssub.s32 @!p0 $0x0, s1;
	[sflag:s0] =	ssyncset.done @!p0 $0x0  }
0x55: {  	[sflag:s0] =	ssyncadd.s32 @!p0 s1  }
0x56: {  	[bflag:$0x3] =	sbarrier.arrive $0xFFFF  }
0x57: {  	_ =	shalt  }

</sc_bundles>
